<compile_context>
chip_gen: v7x
topology: tpu7x:2x2x1
jax: 0.10.2.dev20260603
libtpu: 0.0.44.dev20260713+nightly
codegen_flags: <defaults>
</compile_context>

<pallas_src>
import functools

import jax
import jax.numpy as jnp
from jax import lax
from jax.experimental import pallas as pl
from jax.experimental.pallas import tpu as pltpu
from jax.experimental.pallas import tpu_sc as plsc

B, T, D = 16, 4096, 2048


@functools.cache
def _make_scs_gather():
    mesh = plsc.ScalarSubcoreMesh(axis_name="c", num_cores=2)

    @functools.partial(
        pl.kernel,
        mesh=mesh,
        out_type=jax.ShapeDtypeStruct((B, D), jnp.float32),
        scratch_types=[
            pltpu.SMEM((B,), jnp.int32),
            pltpu.VMEM_SHARED((B // 2, D), jnp.float32),
            pltpu.SemaphoreType.DMA,
            pltpu.SemaphoreType.DMA,
        ],
    )
    def scs_gather(table_hbm, lens_hbm, h_out, lens_s, rows_sp, sem, sem2):
        c = lax.axis_index("c")
        pltpu.sync_copy(lens_hbm, lens_s)
        gets = []
        for i in range(B // 2):
            b = c * (B // 2) + i
            idx = b * T + lens_s[b] - 1
            gets.append(
                pltpu.async_copy(
                    table_hbm.at[pl.ds(idx, 1)], rows_sp.at[pl.ds(i, 1)], sem
                )
            )
        for g in gets:
            g.wait()
        pltpu.async_copy(
            rows_sp, h_out.at[pl.ds(c * (B // 2), B // 2)], sem2
        ).wait()

    return scs_gather


def kernel(payload, seq_lens):
    table = payload.reshape(B * T, D)
    lens32 = seq_lens.astype(jnp.int32)
    h = _make_scs_gather()(table, lens32)
    ln = lens32.astype(jnp.float32)[:, None] / 200.0
    return jnp.concatenate([h, ln, -jnp.log(ln)], axis=-1)

# --- scband reference (transcript-rebuilt; emitter-appended) ---
"""Pipeline reference for scband-concat-len-encoder-46729244180639 (READ-ONLY COPY).

The authoritative reference and input builder live on the scoring server;
editing this copy changes nothing except your own understanding.
"""

import jax, jax.numpy as jnp
import numpy as np

B, T, D = 16, 4096, 2048

def setup_inputs(seed: int = 0) -> dict:
    key = jax.random.key(seed)
    k1, k2 = jax.random.split(key)
    payload = jax.random.normal(k1, (B, T, D), dtype=jnp.float32)
    # seq_lens in [1, T] so that -log(lens/200) is finite and l-1 is a valid index
    seq_lens = jax.random.randint(k2, (B,), 1, T + 1, dtype=jnp.int64)
    return {"payload": payload, "seq_lens": seq_lens}

def reference(payload, seq_lens):
    # PaddedBatch is decomposed into (payload [B,T,D], seq_lens [B])
    lens = seq_lens[:, None].astype(jnp.float32)
    lens_normed = lens / 200.0
    # h = payload[range(B), seq_lens - 1]  -> last valid token per sequence
    h = payload[jnp.arange(payload.shape[0]), seq_lens - 1]
    embeddings = jnp.concatenate([h, lens_normed, -jnp.log(lens_normed)], axis=-1)
    return embeddings

if __name__ == "__main__":
    import jax
    _d = setup_inputs()
    print(jax.jit(kernel)(*tuple(_d.values())))

</pallas_src>

<mosaic_0001>
#map = affine_map<(d0) -> (0, 0)>
#map1 = affine_map<(d0) -> (0)>
module attributes {stable_mosaic.version = 14 : i64} {
  func.func @scs_gather(%arg0: i32, %arg1: memref<65536x2048xf32, #tpu.memory_space<hbm>>, %arg2: memref<16xi32, #tpu.memory_space<hbm>>, %arg3: memref<16x2048xf32, #tpu.memory_space<hbm>>, %arg4: memref<16xi32, #tpu.memory_space<smem>>, %arg5: memref<8x2048xf32, #tpu.memory_space<vmem_shared>>, %arg6: memref<!tpu.dma_semaphore, #tpu.memory_space<semaphore_mem>>, %arg7: memref<!tpu.dma_semaphore, #tpu.memory_space<semaphore_mem>>) attributes {dimension_semantics = [#tpu.dimension_semantics<core_parallel>], iteration_bounds = array<i64: 2>, scalar_prefetch = 0 : i64, scratch_operands = 4 : i64, tpu.core_type = #tpu.core_type<sc_scalar_subcore>, window_params = [{transform_indices = #map}, {transform_indices = #map1}, {transform_indices = #map}]} {
    "tpu.region"() ({
      %run_scoped3A = tpu.sem_alloc : memref<!tpu.dma_semaphore, #tpu.memory_space<semaphore_mem>>
      tpu.enqueue_dma source(%arg2 : memref<16xi32, #tpu.memory_space<hbm>>) target(%arg4 : memref<16xi32, #tpu.memory_space<smem>>) target_semaphore(%run_scoped3A : memref<!tpu.dma_semaphore, #tpu.memory_space<semaphore_mem>>)
      tpu.wait_dma2 semaphore(%run_scoped3A : memref<!tpu.dma_semaphore, #tpu.memory_space<semaphore_mem>>) src(%arg2 : memref<16xi32, #tpu.memory_space<hbm>>) dst(%arg4 : memref<16xi32, #tpu.memory_space<smem>>)
      tpu.yield
    }) : () -> ()
    %mul3A = arith.constant 8 : i32
    %mul3A_0 = arith.muli %arg0, %mul3A : i32
    %add3A = arith.constant 0 : i32
    %add3A_1 = arith.addi %mul3A_0, %add3A : i32
    %mul3A_2 = arith.constant 4096 : i32
    %mul3A_3 = arith.muli %add3A_1, %mul3A_2 : i32
    %get3A = arith.index_cast %add3A_1 : i32 to index
    %get3A_4 = memref.load %arg4[%get3A] : memref<16xi32, #tpu.memory_space<smem>>
    %add3A_5 = arith.addi %mul3A_3, %get3A_4 : i32
    %sub3A = arith.constant 1 : i32
    %sub3A_6 = arith.subi %add3A_5, %sub3A : i32
    %dma_start3A = arith.constant 0 : i32
    %dma_start3A_7 = arith.constant 0 : i32
    %dma_start3A_8 = tpu.memref_slice %arg5[%dma_start3A, %dma_start3A_7] : memref<8x2048xf32, #tpu.memory_space<vmem_shared>> -> memref<1x2048xf32, #tpu.memory_space<vmem_shared>>
    %dma_start3A_9 = arith.constant 0 : i32
    %dma_start3A_10 = tpu.memref_slice %arg1[%sub3A_6, %dma_start3A_9] : memref<65536x2048xf32, #tpu.memory_space<hbm>> -> memref<1x2048xf32, #tpu.memory_space<hbm>>
    tpu.enqueue_dma source(%dma_start3A_10 : memref<1x2048xf32, #tpu.memory_space<hbm>>) target(%dma_start3A_8 : memref<1x2048xf32, #tpu.memory_space<vmem_shared>>) target_semaphore(%arg6 : memref<!tpu.dma_semaphore, #tpu.memory_space<semaphore_mem>>)
    %mul3A_11 = arith.constant 8 : i32
    %mul3A_12 = arith.muli %arg0, %mul3A_11 : i32
    %add3A_13 = arith.constant 1 : i32
    %add3A_14 = arith.addi %mul3A_12, %add3A_13 : i32
    %mul3A_15 = arith.constant 4096 : i32
    %mul3A_16 = arith.muli %add3A_14, %mul3A_15 : i32
    %get3A_17 = arith.index_cast %add3A_14 : i32 to index
    %get3A_18 = memref.load %arg4[%get3A_17] : memref<16xi32, #tpu.memory_space<smem>>
    %add3A_19 = arith.addi %mul3A_16, %get3A_18 : i32
    %sub3A_20 = arith.constant 1 : i32
    %sub3A_21 = arith.subi %add3A_19, %sub3A_20 : i32
    %dma_start3A_22 = arith.constant 1 : i32
    %dma_start3A_23 = arith.constant 0 : i32
    %dma_start3A_24 = tpu.memref_slice %arg5[%dma_start3A_22, %dma_start3A_23] : memref<8x2048xf32, #tpu.memory_space<vmem_shared>> -> memref<1x2048xf32, #tpu.memory_space<vmem_shared>>
    %dma_start3A_25 = arith.constant 0 : i32
    %dma_start3A_26 = tpu.memref_slice %arg1[%sub3A_21, %dma_start3A_25] : memref<65536x2048xf32, #tpu.memory_space<hbm>> -> memref<1x2048xf32, #tpu.memory_space<hbm>>
    tpu.enqueue_dma source(%dma_start3A_26 : memref<1x2048xf32, #tpu.memory_space<hbm>>) target(%dma_start3A_24 : memref<1x2048xf32, #tpu.memory_space<vmem_shared>>) target_semaphore(%arg6 : memref<!tpu.dma_semaphore, #tpu.memory_space<semaphore_mem>>)
    %mul3A_27 = arith.constant 8 : i32
    %mul3A_28 = arith.muli %arg0, %mul3A_27 : i32
    %add3A_29 = arith.constant 2 : i32
    %add3A_30 = arith.addi %mul3A_28, %add3A_29 : i32
    %mul3A_31 = arith.constant 4096 : i32
    %mul3A_32 = arith.muli %add3A_30, %mul3A_31 : i32
    %get3A_33 = arith.index_cast %add3A_30 : i32 to index
    %get3A_34 = memref.load %arg4[%get3A_33] : memref<16xi32, #tpu.memory_space<smem>>
    %add3A_35 = arith.addi %mul3A_32, %get3A_34 : i32
    %sub3A_36 = arith.constant 1 : i32
    %sub3A_37 = arith.subi %add3A_35, %sub3A_36 : i32
    %dma_start3A_38 = arith.constant 2 : i32
    %dma_start3A_39 = arith.constant 0 : i32
    %dma_start3A_40 = tpu.memref_slice %arg5[%dma_start3A_38, %dma_start3A_39] : memref<8x2048xf32, #tpu.memory_space<vmem_shared>> -> memref<1x2048xf32, #tpu.memory_space<vmem_shared>>
    %dma_start3A_41 = arith.constant 0 : i32
    %dma_start3A_42 = tpu.memref_slice %arg1[%sub3A_37, %dma_start3A_41] : memref<65536x2048xf32, #tpu.memory_space<hbm>> -> memref<1x2048xf32, #tpu.memory_space<hbm>>
    tpu.enqueue_dma source(%dma_start3A_42 : memref<1x2048xf32, #tpu.memory_space<hbm>>) target(%dma_start3A_40 : memref<1x2048xf32, #tpu.memory_space<vmem_shared>>) target_semaphore(%arg6 : memref<!tpu.dma_semaphore, #tpu.memory_space<semaphore_mem>>)
    %mul3A_43 = arith.constant 8 : i32
    %mul3A_44 = arith.muli %arg0, %mul3A_43 : i32
    %add3A_45 = arith.constant 3 : i32
    %add3A_46 = arith.addi %mul3A_44, %add3A_45 : i32
    %mul3A_47 = arith.constant 4096 : i32
    %mul3A_48 = arith.muli %add3A_46, %mul3A_47 : i32
    %get3A_49 = arith.index_cast %add3A_46 : i32 to index
    %get3A_50 = memref.load %arg4[%get3A_49] : memref<16xi32, #tpu.memory_space<smem>>
    %add3A_51 = arith.addi %mul3A_48, %get3A_50 : i32
    %sub3A_52 = arith.constant 1 : i32
    %sub3A_53 = arith.subi %add3A_51, %sub3A_52 : i32
    %dma_start3A_54 = arith.constant 3 : i32
    %dma_start3A_55 = arith.constant 0 : i32
    %dma_start3A_56 = tpu.memref_slice %arg5[%dma_start3A_54, %dma_start3A_55] : memref<8x2048xf32, #tpu.memory_space<vmem_shared>> -> memref<1x2048xf32, #tpu.memory_space<vmem_shared>>
    %dma_start3A_57 = arith.constant 0 : i32
    %dma_start3A_58 = tpu.memref_slice %arg1[%sub3A_53, %dma_start3A_57] : memref<65536x2048xf32, #tpu.memory_space<hbm>> -> memref<1x2048xf32, #tpu.memory_space<hbm>>
    tpu.enqueue_dma source(%dma_start3A_58 : memref<1x2048xf32, #tpu.memory_space<hbm>>) target(%dma_start3A_56 : memref<1x2048xf32, #tpu.memory_space<vmem_shared>>) target_semaphore(%arg6 : memref<!tpu.dma_semaphore, #tpu.memory_space<semaphore_mem>>)
    %mul3A_59 = arith.constant 8 : i32
    %mul3A_60 = arith.muli %arg0, %mul3A_59 : i32
    %add3A_61 = arith.constant 4 : i32
    %add3A_62 = arith.addi %mul3A_60, %add3A_61 : i32
    %mul3A_63 = arith.constant 4096 : i32
    %mul3A_64 = arith.muli %add3A_62, %mul3A_63 : i32
    %get3A_65 = arith.index_cast %add3A_62 : i32 to index
    %get3A_66 = memref.load %arg4[%get3A_65] : memref<16xi32, #tpu.memory_space<smem>>
    %add3A_67 = arith.addi %mul3A_64, %get3A_66 : i32
    %sub3A_68 = arith.constant 1 : i32
    %sub3A_69 = arith.subi %add3A_67, %sub3A_68 : i32
    %dma_start3A_70 = arith.constant 4 : i32
    %dma_start3A_71 = arith.constant 0 : i32
    %dma_start3A_72 = tpu.memref_slice %arg5[%dma_start3A_70, %dma_start3A_71] : memref<8x2048xf32, #tpu.memory_space<vmem_shared>> -> memref<1x2048xf32, #tpu.memory_space<vmem_shared>>
    %dma_start3A_73 = arith.constant 0 : i32
    %dma_start3A_74 = tpu.memref_slice %arg1[%sub3A_69, %dma_start3A_73] : memref<65536x2048xf32, #tpu.memory_space<hbm>> -> memref<1x2048xf32, #tpu.memory_space<hbm>>
    tpu.enqueue_dma source(%dma_start3A_74 : memref<1x2048xf32, #tpu.memory_space<hbm>>) target(%dma_start3A_72 : memref<1x2048xf32, #tpu.memory_space<vmem_shared>>) target_semaphore(%arg6 : memref<!tpu.dma_semaphore, #tpu.memory_space<semaphore_mem>>)
    %mul3A_75 = arith.constant 8 : i32
    %mul3A_76 = arith.muli %arg0, %mul3A_75 : i32
    %add3A_77 = arith.constant 5 : i32
    %add3A_78 = arith.addi %mul3A_76, %add3A_77 : i32
    %mul3A_79 = arith.constant 4096 : i32
    %mul3A_80 = arith.muli %add3A_78, %mul3A_79 : i32
    %get3A_81 = arith.index_cast %add3A_78 : i32 to index
    %get3A_82 = memref.load %arg4[%get3A_81] : memref<16xi32, #tpu.memory_space<smem>>
    %add3A_83 = arith.addi %mul3A_80, %get3A_82 : i32
    %sub3A_84 = arith.constant 1 : i32
    %sub3A_85 = arith.subi %add3A_83, %sub3A_84 : i32
    %dma_start3A_86 = arith.constant 5 : i32
    %dma_start3A_87 = arith.constant 0 : i32
    %dma_start3A_88 = tpu.memref_slice %arg5[%dma_start3A_86, %dma_start3A_87] : memref<8x2048xf32, #tpu.memory_space<vmem_shared>> -> memref<1x2048xf32, #tpu.memory_space<vmem_shared>>
    %dma_start3A_89 = arith.constant 0 : i32
    %dma_start3A_90 = tpu.memref_slice %arg1[%sub3A_85, %dma_start3A_89] : memref<65536x2048xf32, #tpu.memory_space<hbm>> -> memref<1x2048xf32, #tpu.memory_space<hbm>>
    tpu.enqueue_dma source(%dma_start3A_90 : memref<1x2048xf32, #tpu.memory_space<hbm>>) target(%dma_start3A_88 : memref<1x2048xf32, #tpu.memory_space<vmem_shared>>) target_semaphore(%arg6 : memref<!tpu.dma_semaphore, #tpu.memory_space<semaphore_mem>>)
    %mul3A_91 = arith.constant 8 : i32
    %mul3A_92 = arith.muli %arg0, %mul3A_91 : i32
    %add3A_93 = arith.constant 6 : i32
    %add3A_94 = arith.addi %mul3A_92, %add3A_93 : i32
    %mul3A_95 = arith.constant 4096 : i32
    %mul3A_96 = arith.muli %add3A_94, %mul3A_95 : i32
    %get3A_97 = arith.index_cast %add3A_94 : i32 to index
    %get3A_98 = memref.load %arg4[%get3A_97] : memref<16xi32, #tpu.memory_space<smem>>
    %add3A_99 = arith.addi %mul3A_96, %get3A_98 : i32
    %sub3A_100 = arith.constant 1 : i32
    %sub3A_101 = arith.subi %add3A_99, %sub3A_100 : i32
    %dma_start3A_102 = arith.constant 6 : i32
    %dma_start3A_103 = arith.constant 0 : i32
    %dma_start3A_104 = tpu.memref_slice %arg5[%dma_start3A_102, %dma_start3A_103] : memref<8x2048xf32, #tpu.memory_space<vmem_shared>> -> memref<1x2048xf32, #tpu.memory_space<vmem_shared>>
    %dma_start3A_105 = arith.constant 0 : i32
    %dma_start3A_106 = tpu.memref_slice %arg1[%sub3A_101, %dma_start3A_105] : memref<65536x2048xf32, #tpu.memory_space<hbm>> -> memref<1x2048xf32, #tpu.memory_space<hbm>>
    tpu.enqueue_dma source(%dma_start3A_106 : memref<1x2048xf32, #tpu.memory_space<hbm>>) target(%dma_start3A_104 : memref<1x2048xf32, #tpu.memory_space<vmem_shared>>) target_semaphore(%arg6 : memref<!tpu.dma_semaphore, #tpu.memory_space<semaphore_mem>>)
    %mul3A_107 = arith.constant 8 : i32
    %mul3A_108 = arith.muli %arg0, %mul3A_107 : i32
    %add3A_109 = arith.constant 7 : i32
    %add3A_110 = arith.addi %mul3A_108, %add3A_109 : i32
    %mul3A_111 = arith.constant 4096 : i32
    %mul3A_112 = arith.muli %add3A_110, %mul3A_111 : i32
    %get3A_113 = arith.index_cast %add3A_110 : i32 to index
    %get3A_114 = memref.load %arg4[%get3A_113] : memref<16xi32, #tpu.memory_space<smem>>
    %add3A_115 = arith.addi %mul3A_112, %get3A_114 : i32
    %sub3A_116 = arith.constant 1 : i32
    %sub3A_117 = arith.subi %add3A_115, %sub3A_116 : i32
    %dma_start3A_118 = arith.constant 7 : i32
    %dma_start3A_119 = arith.constant 0 : i32
    %dma_start3A_120 = tpu.memref_slice %arg5[%dma_start3A_118, %dma_start3A_119] : memref<8x2048xf32, #tpu.memory_space<vmem_shared>> -> memref<1x2048xf32, #tpu.memory_space<vmem_shared>>
    %dma_start3A_121 = arith.constant 0 : i32
    %dma_start3A_122 = tpu.memref_slice %arg1[%sub3A_117, %dma_start3A_121] : memref<65536x2048xf32, #tpu.memory_space<hbm>> -> memref<1x2048xf32, #tpu.memory_space<hbm>>
    tpu.enqueue_dma source(%dma_start3A_122 : memref<1x2048xf32, #tpu.memory_space<hbm>>) target(%dma_start3A_120 : memref<1x2048xf32, #tpu.memory_space<vmem_shared>>) target_semaphore(%arg6 : memref<!tpu.dma_semaphore, #tpu.memory_space<semaphore_mem>>)
    %dma_wait3A = arith.constant 0 : i32
    %dma_wait3A_123 = arith.constant 0 : i32
    %dma_wait3A_124 = tpu.memref_slice %arg5[%dma_wait3A, %dma_wait3A_123] : memref<8x2048xf32, #tpu.memory_space<vmem_shared>> -> memref<1x2048xf32, #tpu.memory_space<vmem_shared>>
    %dma_wait3A_125 = arith.constant 0 : i32
    %dma_wait3A_126 = tpu.memref_slice %arg1[%sub3A_6, %dma_wait3A_125] : memref<65536x2048xf32, #tpu.memory_space<hbm>> -> memref<1x2048xf32, #tpu.memory_space<hbm>>
    tpu.wait_dma2 semaphore(%arg6 : memref<!tpu.dma_semaphore, #tpu.memory_space<semaphore_mem>>) src(%dma_wait3A_126 : memref<1x2048xf32, #tpu.memory_space<hbm>>) dst(%dma_wait3A_124 : memref<1x2048xf32, #tpu.memory_space<vmem_shared>>)
    %dma_wait3A_127 = arith.constant 1 : i32
    %dma_wait3A_128 = arith.constant 0 : i32
    %dma_wait3A_129 = tpu.memref_slice %arg5[%dma_wait3A_127, %dma_wait3A_128] : memref<8x2048xf32, #tpu.memory_space<vmem_shared>> -> memref<1x2048xf32, #tpu.memory_space<vmem_shared>>
    %dma_wait3A_130 = arith.constant 0 : i32
    %dma_wait3A_131 = tpu.memref_slice %arg1[%sub3A_21, %dma_wait3A_130] : memref<65536x2048xf32, #tpu.memory_space<hbm>> -> memref<1x2048xf32, #tpu.memory_space<hbm>>
    tpu.wait_dma2 semaphore(%arg6 : memref<!tpu.dma_semaphore, #tpu.memory_space<semaphore_mem>>) src(%dma_wait3A_131 : memref<1x2048xf32, #tpu.memory_space<hbm>>) dst(%dma_wait3A_129 : memref<1x2048xf32, #tpu.memory_space<vmem_shared>>)
    %dma_wait3A_132 = arith.constant 2 : i32
    %dma_wait3A_133 = arith.constant 0 : i32
    %dma_wait3A_134 = tpu.memref_slice %arg5[%dma_wait3A_132, %dma_wait3A_133] : memref<8x2048xf32, #tpu.memory_space<vmem_shared>> -> memref<1x2048xf32, #tpu.memory_space<vmem_shared>>
    %dma_wait3A_135 = arith.constant 0 : i32
    %dma_wait3A_136 = tpu.memref_slice %arg1[%sub3A_37, %dma_wait3A_135] : memref<65536x2048xf32, #tpu.memory_space<hbm>> -> memref<1x2048xf32, #tpu.memory_space<hbm>>
    tpu.wait_dma2 semaphore(%arg6 : memref<!tpu.dma_semaphore, #tpu.memory_space<semaphore_mem>>) src(%dma_wait3A_136 : memref<1x2048xf32, #tpu.memory_space<hbm>>) dst(%dma_wait3A_134 : memref<1x2048xf32, #tpu.memory_space<vmem_shared>>)
    %dma_wait3A_137 = arith.constant 3 : i32
    %dma_wait3A_138 = arith.constant 0 : i32
    %dma_wait3A_139 = tpu.memref_slice %arg5[%dma_wait3A_137, %dma_wait3A_138] : memref<8x2048xf32, #tpu.memory_space<vmem_shared>> -> memref<1x2048xf32, #tpu.memory_space<vmem_shared>>
    %dma_wait3A_140 = arith.constant 0 : i32
    %dma_wait3A_141 = tpu.memref_slice %arg1[%sub3A_53, %dma_wait3A_140] : memref<65536x2048xf32, #tpu.memory_space<hbm>> -> memref<1x2048xf32, #tpu.memory_space<hbm>>
    tpu.wait_dma2 semaphore(%arg6 : memref<!tpu.dma_semaphore, #tpu.memory_space<semaphore_mem>>) src(%dma_wait3A_141 : memref<1x2048xf32, #tpu.memory_space<hbm>>) dst(%dma_wait3A_139 : memref<1x2048xf32, #tpu.memory_space<vmem_shared>>)
    %dma_wait3A_142 = arith.constant 4 : i32
    %dma_wait3A_143 = arith.constant 0 : i32
    %dma_wait3A_144 = tpu.memref_slice %arg5[%dma_wait3A_142, %dma_wait3A_143] : memref<8x2048xf32, #tpu.memory_space<vmem_shared>> -> memref<1x2048xf32, #tpu.memory_space<vmem_shared>>
    %dma_wait3A_145 = arith.constant 0 : i32
    %dma_wait3A_146 = tpu.memref_slice %arg1[%sub3A_69, %dma_wait3A_145] : memref<65536x2048xf32, #tpu.memory_space<hbm>> -> memref<1x2048xf32, #tpu.memory_space<hbm>>
    tpu.wait_dma2 semaphore(%arg6 : memref<!tpu.dma_semaphore, #tpu.memory_space<semaphore_mem>>) src(%dma_wait3A_146 : memref<1x2048xf32, #tpu.memory_space<hbm>>) dst(%dma_wait3A_144 : memref<1x2048xf32, #tpu.memory_space<vmem_shared>>)
    %dma_wait3A_147 = arith.constant 5 : i32
    %dma_wait3A_148 = arith.constant 0 : i32
    %dma_wait3A_149 = tpu.memref_slice %arg5[%dma_wait3A_147, %dma_wait3A_148] : memref<8x2048xf32, #tpu.memory_space<vmem_shared>> -> memref<1x2048xf32, #tpu.memory_space<vmem_shared>>
    %dma_wait3A_150 = arith.constant 0 : i32
    %dma_wait3A_151 = tpu.memref_slice %arg1[%sub3A_85, %dma_wait3A_150] : memref<65536x2048xf32, #tpu.memory_space<hbm>> -> memref<1x2048xf32, #tpu.memory_space<hbm>>
    tpu.wait_dma2 semaphore(%arg6 : memref<!tpu.dma_semaphore, #tpu.memory_space<semaphore_mem>>) src(%dma_wait3A_151 : memref<1x2048xf32, #tpu.memory_space<hbm>>) dst(%dma_wait3A_149 : memref<1x2048xf32, #tpu.memory_space<vmem_shared>>)
    %dma_wait3A_152 = arith.constant 6 : i32
    %dma_wait3A_153 = arith.constant 0 : i32
    %dma_wait3A_154 = tpu.memref_slice %arg5[%dma_wait3A_152, %dma_wait3A_153] : memref<8x2048xf32, #tpu.memory_space<vmem_shared>> -> memref<1x2048xf32, #tpu.memory_space<vmem_shared>>
    %dma_wait3A_155 = arith.constant 0 : i32
    %dma_wait3A_156 = tpu.memref_slice %arg1[%sub3A_101, %dma_wait3A_155] : memref<65536x2048xf32, #tpu.memory_space<hbm>> -> memref<1x2048xf32, #tpu.memory_space<hbm>>
    tpu.wait_dma2 semaphore(%arg6 : memref<!tpu.dma_semaphore, #tpu.memory_space<semaphore_mem>>) src(%dma_wait3A_156 : memref<1x2048xf32, #tpu.memory_space<hbm>>) dst(%dma_wait3A_154 : memref<1x2048xf32, #tpu.memory_space<vmem_shared>>)
    %dma_wait3A_157 = arith.constant 7 : i32
    %dma_wait3A_158 = arith.constant 0 : i32
    %dma_wait3A_159 = tpu.memref_slice %arg5[%dma_wait3A_157, %dma_wait3A_158] : memref<8x2048xf32, #tpu.memory_space<vmem_shared>> -> memref<1x2048xf32, #tpu.memory_space<vmem_shared>>
    %dma_wait3A_160 = arith.constant 0 : i32
    %dma_wait3A_161 = tpu.memref_slice %arg1[%sub3A_117, %dma_wait3A_160] : memref<65536x2048xf32, #tpu.memory_space<hbm>> -> memref<1x2048xf32, #tpu.memory_space<hbm>>
    tpu.wait_dma2 semaphore(%arg6 : memref<!tpu.dma_semaphore, #tpu.memory_space<semaphore_mem>>) src(%dma_wait3A_161 : memref<1x2048xf32, #tpu.memory_space<hbm>>) dst(%dma_wait3A_159 : memref<1x2048xf32, #tpu.memory_space<vmem_shared>>)
    %mul3A_162 = arith.constant 8 : i32
    %mul3A_163 = arith.muli %arg0, %mul3A_162 : i32
    %dma_start3A_164 = arith.constant 0 : i32
    %dma_start3A_165 = tpu.memref_slice %arg3[%mul3A_163, %dma_start3A_164] : memref<16x2048xf32, #tpu.memory_space<hbm>> -> memref<8x2048xf32, #tpu.memory_space<hbm>>
    tpu.enqueue_dma source(%arg5 : memref<8x2048xf32, #tpu.memory_space<vmem_shared>>) target(%dma_start3A_165 : memref<8x2048xf32, #tpu.memory_space<hbm>>) target_semaphore(%arg7 : memref<!tpu.dma_semaphore, #tpu.memory_space<semaphore_mem>>)
    %dma_wait3A_166 = arith.constant 0 : i32
    %dma_wait3A_167 = tpu.memref_slice %arg3[%mul3A_163, %dma_wait3A_166] : memref<16x2048xf32, #tpu.memory_space<hbm>> -> memref<8x2048xf32, #tpu.memory_space<hbm>>
    tpu.wait_dma2 semaphore(%arg7 : memref<!tpu.dma_semaphore, #tpu.memory_space<semaphore_mem>>) src(%arg5 : memref<8x2048xf32, #tpu.memory_space<vmem_shared>>) dst(%dma_wait3A_167 : memref<8x2048xf32, #tpu.memory_space<hbm>>)
    return
  }
}

</mosaic_0001>

<sc_bundles>
// kernel: kernel.3.cloned.1.call-start
scs
__scs_entry_jumppad:
0x0: {  	(pc) =	sbr.rel $0x88, $3  }
0x1: {  	(tag) =	ssettag $0x0;
	lr =	simm.s32 $0x1  }
0x2: {  	[smem:$0x3F9F] =	sst lr;
	_ =	strace $0xD0000000  }
0x3: {  	_ = 	snop  }
0x4: {  	_ = 	snop  }
0x5: {  	_ = 	snop  }
0x6: {  	_ = 	snop  }
0x7: {  	_ = 	snop  }
__scs_overlays_trampoline_lowered:
0x8: {  	[smem:$0x3FAE] =	sst s0  }
0x9: {  	[smem:$0x3FAF] =	sst s1  }
0xa: {  	[smem:$0x3FB0] =	sst s2  }
0xb: {  	[smem:$0x3FB1] =	sst s3  }
0xc: {  	[smem:$0x3FB2] =	sst s4  }
0xd: {  	[smem:$0x3FB3] =	sst s5  }
0xe: {  	[smem:$0x3FB4] =	sst s6  }
0xf: {  	[smem:$0x3FB5] =	sst s7  }
0x10: {  	[smem:$0x3FB6] =	sst s8  }
0x11: {  	[smem:$0x3FB7] =	sst s9;
	s0 =	simm.s32 @!p0 $0x0  }
0x12: {  	s1 =	sld [smem:$0x3F9D];
	s0 =	simm.s32 @p0 $0x1  }
0x13: {  	[smem:$0x3FB8] =	sst s0;
	s0 =	simm.s32 @!p1 $0x0  }
0x14: {  	s2 =	sld [smem:$0x3F9C];
	s0 =	simm.s32 @p1 $0x1  }
0x15: {  	[smem:$0x3FB9] =	sst s0;
	s0 =	simm.s32 @!p2 $0x0  }
0x16: {  	s3 =	sld [smem:$0x3FDB];
	s0 =	simm.s32 @p2 $0x1  }
0x17: {  	s4 =	simm.s32 $0x1BF5;
	[smem:$0x3FBB] =	sst s0  }
0x18: {  	s0 =	sld [smem:$0x3F9E];
	_ =	swait.ge [sflag:s4], $0x0  }
0x19: {  	s7 =	sld [smem:$0x3F9F]  }
0x1a: {  	s8 =	sadd.s32 $0xFFFFE003, lr  }
0x1b: {  	s9 =	sadd.s32 $0xFFFFFEF7, lr;
	s5 =	simm.s32 $0xFFFFFFFF;
	p2 =	slt.u32 s8, $0xFFFFF086  }
0x1c: {  	p1 =	slt.u32 s9, $0xF7A;
	s5 =	simm.s32 @!p2 $0x0  }
0x1d: {  	s5 =	simm.s32 @p1 $0x1;
	p0 =	seq.s32 s7, s2  }
0x1e: {  	s7 =	smul.u32 @!p0 $0xF7A, s2;
	p2 =	seq.s32 @!p0 s5, $0x0  }
0x1f: {  	s9 =	smul.u32 $0xF7A, s1;
	s8 =	simm.s32 @!p0 $0x1BF5;
	p2 =	por !p2, p0  }
0x20: {  	[sflag:s8] =	ssyncset.s32 @!p0 $0xFFFFF086;
	s6 =	sadd.s32 @!p0 s3, s7;
	s7 =	simm.s32 @!p0 $0x108  }
0x21: {  	s3 =	sadd.s32 s3, s9;
	s6 =	sadd.s32 @!p0 $0x88, s6;
	s7 =	simm.s32 @p2 $0x1082  }
0x22: {  	[simem:s7], [sflag:s8] =	dma.local @!p0 [hbm:s6], $0xF7A  }
0x23: {  	s9 =	sor.u32 $0xD0000000, s2;
	s6 =	simm.s32 $0x108;
	_ =	swait.ge @!p0 [sflag:s8], $0x0  }
0x24: {  	s3 =	sadd.s32 $0x88, s3;
	s6 =	simm.s32 @!p1 $0x1082;
	[sflag:s4] =	ssyncset.s32 $0xFFFFF086  }
0x25: {  	[simem:s6], [sflag:s4] =	dma.local [hbm:s3], $0xF7A  }
0x26: {  	[smem:$0x3F9F] =	sst s1;
	(tag) =	ssettag s2;
	_ =	strace s9  }
0x27: {  	s1 =	sld [smem:$0x3FAF]  }
0x28: {  	s2 =	sld [smem:$0x3FB0]  }
0x29: {  	s4 =	sld [smem:$0x3FB2]  }
0x2a: {  	p0 =	seq.s32 s5, $0x0;
	s5 =	sld [smem:$0x3FB3]  }
0x2b: {  	s6 =	sld [smem:$0x3FB4]  }
0x2c: {  	s7 =	sld [smem:$0x3FB5]  }
0x2d: {  	s3 =	simm.s32 $0x108;
	s8 =	sld [smem:$0x3FB6]  }
0x2e: {  	s3 =	simm.s32 @!p0 $0x1082;
	s9 =	sld [smem:$0x3FB7]  }
0x2f: {  	lr =	sadd.s32 s0, s3;
	s0 =	sld [smem:$0x3FAE]  }
0x30: {  	s3 =	sld [smem:$0x3FB1]  }
0x31: {  	[smem:$0x3FBA] =	sst s10  }
0x32: {  	s10 =	sld [smem:$0x3FB8];
	_ =	sdelay $0x3  }
0x33: {  	p0 =	seq.s32 s10, $0x1;
	s10 =	sld [smem:$0x3FBA];
	_ =	sdelay $0x3  }
0x34: {  	[smem:$0x3FBA] =	sst s10  }
0x35: {  	s10 =	sld [smem:$0x3FB9];
	_ =	sdelay $0x3  }
0x36: {  	p1 =	seq.s32 s10, $0x1;
	s10 =	sld [smem:$0x3FBA];
	_ =	sdelay $0x3  }
0x37: {  	[smem:$0x3FBA] =	sst s10  }
0x38: {  	s10 =	sld [smem:$0x3FBB]  }
0x39: {  	_ = 	snop;
	(pc) =	sbr.ind lr, $3  }
0x3a: {  	_ = 	snop  }
0x3b: {  	_ = 	snop  }
0x3c: {  	p2 =	seq.s32 s10, $0x1;
	s10 =	sld [smem:$0x3FBA]  }
0x3d: {  	_ =	shalt  }
0x3e: {  	_ =	shalt  }
0x3f: {  	_ =	shalt  }
0x40: {  	_ =	shalt  }
0x41: {  	_ =	shalt  }
0x42: {  	_ =	shalt  }
0x43: {  	_ =	shalt  }
0x44: {  	_ =	shalt  }
0x45: {  	_ =	shalt  }
0x46: {  	_ =	shalt  }
0x47: {  	_ =	shalt  }
0x48: {  	_ =	shalt  }
0x49: {  	_ =	shalt  }
0x4a: {  	_ =	shalt  }
0x4b: {  	_ =	shalt  }
0x4c: {  	_ =	shalt  }
0x4d: {  	_ =	shalt  }
0x4e: {  	_ =	shalt  }
0x4f: {  	_ =	shalt  }
0x50: {  	_ =	shalt  }
0x51: {  	_ =	shalt  }
0x52: {  	_ =	shalt  }
0x53: {  	_ =	shalt  }
0x54: {  	_ =	shalt  }
0x55: {  	_ =	shalt  }
0x56: {  	_ =	shalt  }
0x57: {  	_ =	shalt  }
0x58: {  	_ =	shalt  }
0x59: {  	_ =	shalt  }
0x5a: {  	_ =	shalt  }
0x5b: {  	_ =	shalt  }
0x5c: {  	_ =	shalt  }
0x5d: {  	_ =	shalt  }
0x5e: {  	_ =	shalt  }
0x5f: {  	_ =	shalt  }
0x60: {  	_ =	shalt  }
0x61: {  	_ =	shalt  }
0x62: {  	_ =	shalt  }
0x63: {  	_ =	shalt  }
0x64: {  	_ =	shalt  }
0x65: {  	_ =	shalt  }
0x66: {  	_ =	shalt  }
0x67: {  	_ =	shalt  }
0x68: {  	_ =	shalt  }
0x69: {  	_ =	shalt  }
0x6a: {  	_ =	shalt  }
0x6b: {  	_ =	shalt  }
0x6c: {  	_ =	shalt  }
0x6d: {  	_ =	shalt  }
0x6e: {  	_ =	shalt  }
0x6f: {  	_ =	shalt  }
0x70: {  	_ =	shalt  }
0x71: {  	_ =	shalt  }
0x72: {  	_ =	shalt  }
0x73: {  	_ =	shalt  }
0x74: {  	_ =	shalt  }
0x75: {  	_ =	shalt  }
0x76: {  	_ =	shalt  }
0x77: {  	_ =	shalt  }
0x78: {  	_ =	shalt  }
0x79: {  	_ =	shalt  }
0x7a: {  	_ =	shalt  }
0x7b: {  	_ =	shalt  }
0x7c: {  	_ =	shalt  }
0x7d: {  	_ =	shalt  }
0x7e: {  	_ =	shalt  }
0x7f: {  	_ =	shalt  }
0x80: {  	_ =	shalt  }
0x81: {  	_ =	shalt  }
0x82: {  	_ =	shalt  }
0x83: {  	_ =	shalt  }
0x84: {  	_ =	shalt  }
0x85: {  	_ =	shalt  }
0x86: {  	_ =	shalt  }
0x87: {  	_ =	shalt  }
.Lfunc_end0:
.L_simem_size_0:
called_computation_lowered:
.L_overlay_start_0:
0x88: {  	s2 =	sld [smem:$0x3FD9]  }
0x89: {  	s3 =	sld [smem:$0x3FFE];
	_ =	sdelay $0x1  }
0x8a: {  	s1 =	srdreg.scid  }
0x8b: {  	s0 =	sand.u32 $0x1, s1  }
0x8c: {  	s22 =	sshll.u32 s0, $0xA;
	s2 =	sadd.s32 s3, s2  }
0x8d: {  	s2 =	sadd.s32 s2, s22  }
0x8e: {  	[smem:$0x3FC6] =	sst s2  }
0x8f: {  	_ = 	snop  }
0x90: {  	s2 =	simm.s32 $0x0;
	s4 =	sld [smem:$0x3FC9]  }
0x91: {  	[smem:$0xF] =	sst s2  }
0x92: {  	s5 =	sld [smem:$0x3FC8];
	(tm) =	ssettm $0x1  }
0x93: {  	s23 =	sld [smem:$0x3FFB];
	_ =	sdelay $0x3  }
0x94: {  	_ =	strace s23  }
0x95: {  	s3 =	sld [smem:$0x3FFC];
	_ =	sdelay $0x3  }
0x96: {  	_ =	strace s3  }
0x97: {  	s3 =	sld [smem:$0x3FFD];
	_ =	sdelay $0x3  }
0x98: {  	_ =	strace s3  }
0x99: {  	s24 =	simm.s32 $0x1B8B;
	_ =	strace $0x8FFFFFFF  }
0x9a: {  	_ =	swait.ge [sflag:s24], $0x1  }
0x9b: {  	[sflag:s24] =	ssyncset.done $0x0  }
0x9c: {  	s6 =	simm.s32 $0x1B8E;
	[sflag:s24] =	ssyncadd.s32 $0xFFFFFFFF  }
0x9d: {  	s7 =	simm.s32 $0xB;
	[smem:$0x3FD2] =	sst s6  }
0x9e: {  	s10 =	simm.s32 $0x10;
	s3 =	sld [smem:$0x3FFE];
	_ =	strace $0x80000046  }
0x9f: {  	[smem:s10], [sflag:s7] =	dma.local [hbm:s5], $0x10  }
0xa0: {  	_ =	swait.ge [sflag:s7], $0x10  }
0xa1: {  	s6 =	sshll.u32 s0, $0x3;
	[sflag:s7] =	ssyncset.done $0x0  }
0xa2: {  	s25 =	sor.u32 $0x10, s6;
	[sflag:s7] =	ssyncadd.s32 $0xFFFFFFF0  }
0xa3: {  	s5 =	sld [smem:s25+$0x0];
	_ =	sdelay $0x2  }
0xa4: {  	s26 =	sshll.u32 s0, $0xF  }
0xa5: {  	s5 =	sadd.s32 s5, s26  }
0xa6: {  	s5 =	sadd.s32 $0xFFFFFFFF, s5  }
0xa7: {  	s8 =	sshll.u32 s5, $0xB;
	s5 =	sshll.u32 s5, $0x7  }
0xa8: {  	s8 =	sand.u32 $0xFFFFC000, s8;
	s5 =	sand.u32 $0x380, s5  }
0xa9: {  	s5 =	sor.u32 s5, s8  }
0xaa: {  	s28 =	simm.s32 $0x1;
	s9 =	simm.s32 $0x80;
	s5 =	sshrl.u32 s5, $0x3  }
0xab: {  	s29 =	sor.u32 $0x11, s6;
	s11 =	sadd.s32 s4, s5;
	s5 =	simm.s32 $0x9  }
0xac: {  	[spmem:s2@s9], [sflag:s5] =	dma.strided [hbm:s11@s9], $0x100, s28, $0x10   }
0xad: {  	s11 =	sld [smem:s29+$0x0];
	_ =	sdelay $0x3  }
0xae: {  	s11 =	sadd.s32 s26, s11  }
0xaf: {  	s11 =	sadd.s32 $0xFFF, s11  }
0xb0: {  	s12 =	sshll.u32 s11, $0xB;
	s11 =	sshll.u32 s11, $0x7  }
0xb1: {  	s12 =	sand.u32 $0xFFFFC000, s12;
	s11 =	sand.u32 $0x380, s11  }
0xb2: {  	s11 =	sor.u32 s11, s12  }
0xb3: {  	s11 =	sshrl.u32 s11, $0x3  }
0xb4: {  	s30 =	sor.u32 $0x12, s6;
	s11 =	sadd.s32 s4, s11  }
0xb5: {  	[spmem:s10@s9], [sflag:s5] =	dma.strided [hbm:s11@s9], $0x100, s28, $0x10   }
0xb6: {  	s10 =	sld [smem:s30+$0x0];
	_ =	sdelay $0x3  }
0xb7: {  	s10 =	sadd.s32 s26, s10  }
0xb8: {  	s10 =	sadd.s32 $0x1FFF, s10  }
0xb9: {  	s31 =	sshll.u32 s10, $0xB;
	s10 =	sshll.u32 s10, $0x7  }
0xba: {  	s11 =	sand.u32 $0xFFFFC000, s31;
	s10 =	sand.u32 $0x380, s10  }
0xbb: {  	s10 =	sor.u32 s10, s11  }
0xbc: {  	s10 =	sshrl.u32 s10, $0x3  }
0xbd: {  	s13 =	sor.u32 $0x13, s6;
	s12 =	simm.s32 $0x20;
	s10 =	sadd.s32 s4, s10  }
0xbe: {  	[spmem:s12@s9], [sflag:s5] =	dma.strided [hbm:s10@s9], $0x100, s28, $0x10   }
0xbf: {  	s10 =	sld [smem:s13+$0x0];
	_ =	sdelay $0x3  }
0xc0: {  	s10 =	sadd.s32 s26, s10  }
0xc1: {  	s10 =	sadd.s32 $0x2FFF, s10  }
0xc2: {  	s14 =	sshll.u32 s10, $0xB;
	s10 =	sshll.u32 s10, $0x7  }
0xc3: {  	s11 =	sand.u32 $0xFFFFC000, s14;
	s10 =	sand.u32 $0x380, s10  }
0xc4: {  	s10 =	sor.u32 s10, s11  }
0xc5: {  	s10 =	sshrl.u32 s10, $0x3  }
0xc6: {  	s15 =	simm.s32 $0x30;
	s16 =	sor.u32 $0x14, s6;
	s10 =	sadd.s32 s4, s10  }
0xc7: {  	[spmem:s15@s9], [sflag:s5] =	dma.strided [hbm:s10@s9], $0x100, s28, $0x10   }
0xc8: {  	s10 =	sld [smem:s16+$0x0];
	_ =	sdelay $0x3  }
0xc9: {  	s10 =	sadd.s32 s26, s10  }
0xca: {  	s10 =	sadd.s32 $0x3FFF, s10  }
0xcb: {  	s17 =	sshll.u32 s10, $0xB;
	s10 =	sshll.u32 s10, $0x7  }
0xcc: {  	s11 =	sand.u32 $0xFFFFC000, s17;
	s10 =	sand.u32 $0x380, s10  }
0xcd: {  	s10 =	sor.u32 s10, s11  }
0xce: {  	s10 =	sshrl.u32 s10, $0x3  }
0xcf: {  	s18 =	simm.s32 $0x40;
	s19 =	sor.u32 $0x15, s6;
	s10 =	sadd.s32 s4, s10  }
0xd0: {  	[spmem:s18@s9], [sflag:s5] =	dma.strided [hbm:s10@s9], $0x100, s28, $0x10   }
0xd1: {  	s10 =	sld [smem:s19+$0x0];
	_ =	sdelay $0x3  }
0xd2: {  	s10 =	sadd.s32 s26, s10  }
0xd3: {  	s10 =	sadd.s32 $0x4FFF, s10  }
0xd4: {  	s20 =	sshll.u32 s10, $0xB;
	s10 =	sshll.u32 s10, $0x7  }
0xd5: {  	s11 =	sand.u32 $0xFFFFC000, s20;
	s10 =	sand.u32 $0x380, s10  }
0xd6: {  	s10 =	sor.u32 s10, s11  }
0xd7: {  	s10 =	sshrl.u32 s10, $0x3  }
0xd8: {  	s21 =	simm.s32 $0x50;
	s22 =	sor.u32 $0x16, s6;
	s10 =	sadd.s32 s4, s10  }
0xd9: {  	[spmem:s21@s9], [sflag:s5] =	dma.strided [hbm:s10@s9], $0x100, s28, $0x10   }
0xda: {  	s10 =	sld [smem:s22+$0x0];
	_ =	sdelay $0x3  }
0xdb: {  	s10 =	sadd.s32 s26, s10  }
0xdc: {  	s10 =	sadd.s32 $0x5FFF, s10  }
0xdd: {  	s23 =	sshll.u32 s10, $0xB;
	s10 =	sshll.u32 s10, $0x7  }
0xde: {  	s11 =	sand.u32 $0xFFFFC000, s23;
	s10 =	sand.u32 $0x380, s10  }
0xdf: {  	s10 =	sor.u32 s10, s11  }
0xe0: {  	s10 =	sshrl.u32 s10, $0x3  }
0xe1: {  	s24 =	simm.s32 $0x60;
	s6 =	sor.u32 $0x17, s6;
	s10 =	sadd.s32 s4, s10  }
0xe2: {  	[spmem:s24@s9], [sflag:s5] =	dma.strided [hbm:s10@s9], $0x100, s28, $0x10   }
0xe3: {  	s6 =	sld [smem:s6+$0x0];
	_ =	sdelay $0x3  }
0xe4: {  	s6 =	sadd.s32 s26, s6  }
0xe5: {  	s6 =	sadd.s32 $0x6FFF, s6  }
0xe6: {  	s25 =	sshll.u32 s6, $0xB;
	s6 =	sshll.u32 s6, $0x7  }
0xe7: {  	s7 =	sand.u32 $0xFFFFC000, s25;
	s6 =	sand.u32 $0x380, s6  }
0xe8: {  	s6 =	sor.u32 s6, s7  }
0xe9: {  	s6 =	sshrl.u32 s6, $0x3  }
0xea: {  	s26 =	simm.s32 $0x70;
	s4 =	sadd.s32 s4, s6  }
0xeb: {  	[spmem:s26@s9], [sflag:s5] =	dma.strided [hbm:s4@s9], $0x100, s28, $0x10   }
0xec: {  	_ =	swait.ge [sflag:s5], $0x100  }
0xed: {  	[sflag:s5] =	ssyncset.done $0x0  }
0xee: {  	[sflag:s5] =	ssyncadd.s32 $0xFFFFFF00;
	_ =	sdelay $0x2  }
0xef: {  	_ =	swait.ge [sflag:s5], $0x100  }
0xf0: {  	[sflag:s5] =	ssyncset.done $0x0  }
0xf1: {  	[sflag:s5] =	ssyncadd.s32 $0xFFFFFF00;
	_ =	sdelay $0x2  }
0xf2: {  	_ =	swait.ge [sflag:s5], $0x100  }
0xf3: {  	[sflag:s5] =	ssyncset.done $0x0  }
0xf4: {  	[sflag:s5] =	ssyncadd.s32 $0xFFFFFF00;
	_ =	sdelay $0x2  }
0xf5: {  	_ =	swait.ge [sflag:s5], $0x100  }
0xf6: {  	[sflag:s5] =	ssyncset.done $0x0  }
0xf7: {  	[sflag:s5] =	ssyncadd.s32 $0xFFFFFF00;
	_ =	sdelay $0x2  }
0xf8: {  	_ =	swait.ge [sflag:s5], $0x100  }
0xf9: {  	[sflag:s5] =	ssyncset.done $0x0  }
0xfa: {  	[sflag:s5] =	ssyncadd.s32 $0xFFFFFF00;
	_ =	sdelay $0x2  }
0xfb: {  	_ =	swait.ge [sflag:s5], $0x100  }
0xfc: {  	[sflag:s5] =	ssyncset.done $0x0  }
0xfd: {  	[sflag:s5] =	ssyncadd.s32 $0xFFFFFF00;
	_ =	sdelay $0x2  }
0xfe: {  	_ =	swait.ge [sflag:s5], $0x100  }
0xff: {  	[sflag:s5] =	ssyncset.done $0x0  }
0x100: {  	[sflag:s5] =	ssyncadd.s32 $0xFFFFFF00;
	_ =	sdelay $0x2  }
0x101: {  	_ =	swait.ge [sflag:s5], $0x100  }
0x102: {  	s28 =	sshll.u32 s0, $0xB;
	[sflag:s5] =	ssyncset.done $0x0  }
0x103: {  	s3 =	sadd.s32 s28, s3;
	[sflag:s5] =	ssyncadd.s32 $0xFFFFFF00  }
0x104: {  	s29 =	simm.s32 $0xA;
	s3 =	sadd.s32 $0x800, s3  }
0x105: {  	[hbm:s3], [sflag:s29] =	dma.local [spmem:s2], $0x800  }
0x106: {  	_ =	swait.ge [sflag:s29], $0x800  }
0x107: {  	[sflag:s29] =	ssyncset.done $0x0  }
0x108: {  	[sflag:s29] =	ssyncadd.s32 $0xFFFFF800  }
0x109: {  	_ =	strace $0x90000046  }
0x10a: {  	_ =	sfence  }
0x10b: {  	s30 =	sld [smem:$0x0];
	_ =	sdelay $0x2  }
0x10c: {  	s31 =	sshll.u32 s1, $0xD;
	s1 =	sshrl.u32 s1, $0x2  }
0x10d: {  	s3 =	sand.u32 $0x4000, s31;
	s1 =	sadd.s32 s1, s30  }
0x10e: {  	s0 =	sor.u32 s3, s0;
	s1 =	sshll.u32 s1, $0x11  }
0x10f: {  	s0 =	sor.u32 s1, s0  }
0x110: {  	s0 =	sadd.s32 $0x8F2B, s0;
	(pc) =	sbr.abs _section_cstart, $3  }
0x111: {  	[sflag:s0] =	ssyncadd.remote.s32 $0x1  }
0x112: {  	_ =	strace $0x9FFFFFFF  }
0x113: {  	(tm) =	ssettm $0x7FFFFFFF  }

</sc_bundles>
